<compile_context>
chip_gen: v7x
topology: tpu7x:2x2x1
jax: 0.10.2.dev20260603
libtpu: 0.0.44.dev20260713+nightly
codegen_flags: <defaults>
</compile_context>

<pallas_src>
import functools

import jax
import jax.numpy as jnp
from jax import lax
from jax.experimental import pallas as pl
from jax.experimental.pallas import tpu as pltpu
from jax.experimental.pallas import tpu_sc as plsc

_NUM_SC_CORES = 2
_NUM_SC_SUBCORES = 16
_NUM_WORKERS = _NUM_SC_CORES * _NUM_SC_SUBCORES

_GCHUNK = 128


def _sc_gather(table, idx, width):
    n_idx = idx.shape[0]
    b_per_w = n_idx // _NUM_WORKERS
    assert n_idx % _NUM_WORKERS == 0 and b_per_w % _GCHUNK == 0
    n_chunks = b_per_w // _GCHUNK

    mesh = plsc.VectorSubcoreMesh(core_axis_name="c", subcore_axis_name="s")

    @functools.partial(
        pl.kernel,
        mesh=mesh,
        out_type=jax.ShapeDtypeStruct((n_idx, width), table.dtype),
        scratch_types=[
            pltpu.VMEM((b_per_w,), jnp.int32),
            pltpu.VMEM((_GCHUNK, width), table.dtype),
            pltpu.VMEM((_GCHUNK, width), table.dtype),
            pltpu.SemaphoreType.DMA,
            pltpu.SemaphoreType.DMA,
            pltpu.SemaphoreType.DMA,
            pltpu.SemaphoreType.DMA,
        ],
    )
    def gather_kernel(table_hbm, idx_hbm, out_hbm,
                      idx_v, buf0, buf1, g0, g1, w0, w1):
        wid = lax.axis_index("s") * _NUM_SC_CORES + lax.axis_index("c")
        base = wid * b_per_w
        pltpu.sync_copy(idx_hbm.at[pl.ds(base, b_per_w)], idx_v)

        bufs = (buf0, buf1)
        gsems = (g0, g1)
        wsems = (w0, w1)

        def start_gather(j):
            return pltpu.async_copy(
                table_hbm.at[idx_v.at[pl.ds(j * _GCHUNK, _GCHUNK)]],
                bufs[j % 2], gsems[j % 2])

        def start_writeout(j):
            return pltpu.async_copy(
                bufs[j % 2],
                out_hbm.at[pl.ds(base + j * _GCHUNK, _GCHUNK)],
                wsems[j % 2])

        gathers = [None] * n_chunks
        writes = [None] * n_chunks
        gathers[0] = start_gather(0)
        for j in range(n_chunks):
            gathers[j].wait()
            if j + 1 < n_chunks:
                if j >= 1:
                    writes[j - 1].wait()
                gathers[j + 1] = start_gather(j + 1)
            writes[j] = start_writeout(j)
        if n_chunks >= 2:
            writes[n_chunks - 2].wait()
        writes[n_chunks - 1].wait()

    return gather_kernel(table, idx)


def _mlp_body(x_ref, w1_ref, b1_ref, w2_ref, b2_ref, o_ref):
    x = x_ref[...]
    xe = jax.lax.bitcast_convert_type(x << 16, jnp.float32)
    xo = jax.lax.bitcast_convert_type((x >> 16) << 16, jnp.float32)
    c = jnp.concatenate([xe, xo], axis=-1).astype(jnp.bfloat16)
    w1 = w1_ref[...].astype(jnp.bfloat16)
    dn = (((1,), (0,)), ((), ()))
    h = lax.dot_general(c, w1, dn, preferred_element_type=jnp.float32)
    h = jnp.maximum(h + b1_ref[...], 0.0).astype(jnp.bfloat16)
    w2 = w2_ref[...].astype(jnp.bfloat16)
    o = lax.dot_general(h, w2, dn, preferred_element_type=jnp.float32)
    o_ref[...] = o + b2_ref[...]


def _mlp(packed, w1, b1, w2, b2, interpret=False):
    b, uw = packed.shape
    k, hid = w1.shape
    bm = 2048
    return pl.pallas_call(
        _mlp_body,
        grid=(b // bm,),
        in_specs=[
            pl.BlockSpec((bm, uw), lambda i: (i, 0)),
            pl.BlockSpec((k, hid), lambda i: (0, 0)),
            pl.BlockSpec((1, hid), lambda i: (0, 0)),
            pl.BlockSpec((hid, hid), lambda i: (0, 0)),
            pl.BlockSpec((1, hid), lambda i: (0, 0)),
        ],
        out_specs=pl.BlockSpec((bm, hid), lambda i: (i, 0)),
        out_shape=jax.ShapeDtypeStruct((b, hid), jnp.float32),
        interpret=interpret,
    )(packed, w1, b1.reshape(1, hid), w2, b2.reshape(1, hid))


def kernel(age, gender, disability, age_table, gender_table, disability_table,
           W1, b1, W2, b2):
    emb = age_table.shape[1]
    n_age = age_table.shape[0]
    n_gender = gender_table.shape[0]
    n_dis = disability_table.shape[0]
    n_combo = n_age * n_gender * n_dis
    width = 4 * emb
    uw = width // 2

    def pack(t):
        n = t.shape[0]
        return jax.lax.bitcast_convert_type(
            t.astype(jnp.bfloat16).reshape(n, emb // 2, 2), jnp.uint32)

    age_u, gen_u, dis_u = pack(age_table), pack(gender_table), pack(
        disability_table)
    table_u32 = jnp.concatenate(
        [jnp.broadcast_to(age_u[:, None, None, :],
                          (n_age, n_gender, n_dis, emb // 2)),
         jnp.broadcast_to(gen_u[None, :, None, :],
                          (n_age, n_gender, n_dis, emb // 2)),
         jnp.broadcast_to(dis_u[None, None, :, :],
                          (n_age, n_gender, n_dis, emb // 2)),
         jnp.zeros((n_age, n_gender, n_dis, uw - 3 * emb // 2), jnp.uint32)],
        axis=-1,
    ).reshape(n_combo, uw)

    idx = (age.astype(jnp.int32) * (n_gender * n_dis)
           + gender.astype(jnp.int32) * n_dis + disability.astype(jnp.int32))

    rows_u32 = _sc_gather(table_u32, idx, uw)

    hid = W1.shape[1]
    w1p = jnp.concatenate(
        [W1, jnp.zeros((width - 3 * emb, hid), W1.dtype)], axis=0)
    w1pp = jnp.concatenate([w1p[0::2], w1p[1::2]], axis=0)
    return _mlp(rows_u32, w1pp, b1, W2, b2)

# --- scband reference (transcript-rebuilt; emitter-appended) ---
"""Pipeline reference for scband-persona-embedding-62732292326098 (READ-ONLY COPY).

The authoritative reference and input builder live on the scoring server;
editing this copy changes nothing except your own understanding.
"""

import jax, jax.numpy as jnp
import numpy as np

B = 16384
EMB = 64
HID = 1024

def setup_inputs(seed: int = 0) -> dict:
    key = jax.random.key(seed)
    ks = jax.random.split(key, 10)
    age = jax.random.randint(ks[0], (B,), 0, 101)
    gender = jax.random.randint(ks[1], (B,), 0, 3)
    disability = jax.random.randint(ks[2], (B,), 0, 20)
    age_table = jax.random.normal(ks[3], (101, EMB), dtype=jnp.float32) * 0.02
    gender_table = jax.random.normal(ks[4], (3, EMB), dtype=jnp.float32) * 0.02
    disability_table = jax.random.normal(ks[5], (20, EMB), dtype=jnp.float32) * 0.02
    W1 = jax.random.normal(ks[6], (EMB * 3, HID), dtype=jnp.float32) * 0.02
    b1 = jnp.zeros((HID,), dtype=jnp.float32)
    W2 = jax.random.normal(ks[7], (HID, HID), dtype=jnp.float32) * 0.02
    b2 = jnp.zeros((HID,), dtype=jnp.float32)
    return {"age": age, "gender": gender, "disability": disability,
            "age_table": age_table, "gender_table": gender_table,
            "disability_table": disability_table,
            "W1": W1, "b1": b1, "W2": W2, "b2": b2}

def reference(age, gender, disability, age_table, gender_table, disability_table, W1, b1, W2, b2):
    age_emb = jnp.take(age_table, age, axis=0)
    gender_emb = jnp.take(gender_table, gender, axis=0)
    disability_emb = jnp.take(disability_table, disability, axis=0)
    combined = jnp.concatenate([age_emb, gender_emb, disability_emb], axis=-1)
    h = jnp.maximum(combined @ W1 + b1, 0.0)
    # dropout is identity in eval mode
    out = h @ W2 + b2
    return out

if __name__ == "__main__":
    import jax
    _d = setup_inputs()
    print(jax.jit(kernel)(*tuple(_d.values())))

</pallas_src>

<mosaic_0001>
#map = affine_map<(d0, d1) -> (0, 0)>
#map1 = affine_map<(d0, d1) -> (0)>
module attributes {stable_mosaic.version = 14 : i64} {
  func.func @gather_kernel(%arg0: i32, %arg1: i32, %arg2: memref<6060x128xi32, #tpu.memory_space<hbm>>, %arg3: memref<16384xi32, #tpu.memory_space<hbm>>, %arg4: memref<16384x128xi32, #tpu.memory_space<hbm>>, %arg5: memref<512xi32, #tpu.memory_space<vmem>>, %arg6: memref<128x128xi32, #tpu.memory_space<vmem>>, %arg7: memref<128x128xi32, #tpu.memory_space<vmem>>, %arg8: memref<!tpu.dma_semaphore, #tpu.memory_space<semaphore_mem>>, %arg9: memref<!tpu.dma_semaphore, #tpu.memory_space<semaphore_mem>>, %arg10: memref<!tpu.dma_semaphore, #tpu.memory_space<semaphore_mem>>, %arg11: memref<!tpu.dma_semaphore, #tpu.memory_space<semaphore_mem>>) attributes {dimension_semantics = [#tpu.dimension_semantics<core_parallel>, #tpu.dimension_semantics<subcore_parallel>], iteration_bounds = array<i64: 2, 16>, scalar_prefetch = 0 : i64, scratch_operands = 7 : i64, tpu.core_type = #tpu.core_type<sc_vector_subcore>, window_params = [{transform_indices = #map}, {transform_indices = #map1}, {transform_indices = #map}]} {
    %mul3A = arith.constant 2 : i32
    %mul3A_0 = arith.muli %arg1, %mul3A : i32
    %add3A = arith.addi %mul3A_0, %arg0 : i32
    %mul3A_1 = arith.constant 512 : i32
    %mul3A_2 = arith.muli %add3A, %mul3A_1 : i32
    "tpu.region"() ({
      %run_scoped3A = tpu.sem_alloc : memref<!tpu.dma_semaphore, #tpu.memory_space<semaphore_mem>>
      %dma_start3A_81 = tpu.memref_slice %arg3[%mul3A_2] : memref<16384xi32, #tpu.memory_space<hbm>> -> memref<512xi32, #tpu.memory_space<hbm>>
      %dma_start3A_82 = tpu.memref_slice %arg3[%mul3A_2] : memref<16384xi32, #tpu.memory_space<hbm>> -> memref<512xi32, #tpu.memory_space<hbm>>
      tpu.enqueue_dma source(%dma_start3A_82 : memref<512xi32, #tpu.memory_space<hbm>>) target(%arg5 : memref<512xi32, #tpu.memory_space<vmem>>) target_semaphore(%run_scoped3A : memref<!tpu.dma_semaphore, #tpu.memory_space<semaphore_mem>>)
      %dma_wait3A_83 = tpu.memref_slice %arg3[%mul3A_2] : memref<16384xi32, #tpu.memory_space<hbm>> -> memref<512xi32, #tpu.memory_space<hbm>>
      %dma_wait3A_84 = tpu.memref_slice %arg3[%mul3A_2] : memref<16384xi32, #tpu.memory_space<hbm>> -> memref<512xi32, #tpu.memory_space<hbm>>
      tpu.wait_dma2 semaphore(%run_scoped3A : memref<!tpu.dma_semaphore, #tpu.memory_space<semaphore_mem>>) src(%dma_wait3A_84 : memref<512xi32, #tpu.memory_space<hbm>>) dst(%arg5 : memref<512xi32, #tpu.memory_space<vmem>>)
      tpu.yield
    }) : () -> ()
    %dma_start3A = arith.constant 0 : i32
    %dma_start3A_3 = tpu.memref_slice %arg5[%dma_start3A] : memref<512xi32, #tpu.memory_space<vmem>> -> memref<128xi32, #tpu.memory_space<vmem>>
    %dma_start3A_4 = arith.constant 0 : i32
    %dma_start3A_5 = arith.constant 0 : i32
    %dma_start3A_6 = tpu.memref_slice %arg2[%dma_start3A_4, %dma_start3A_5] : memref<6060x128xi32, #tpu.memory_space<hbm>> -> memref<6060x128xi32, #tpu.memory_space<hbm>>
    tpu.enqueue_indirect_dma source(%dma_start3A_6 : memref<6060x128xi32, #tpu.memory_space<hbm>>) target(%arg6 : memref<128x128xi32, #tpu.memory_space<vmem>>) offsets(%dma_start3A_3 : memref<128xi32, #tpu.memory_space<vmem>>) semaphore(%arg8 : memref<!tpu.dma_semaphore, #tpu.memory_space<semaphore_mem>>)
    %dma_wait3A = arith.constant 0 : i32
    %dma_wait3A_7 = tpu.memref_slice %arg5[%dma_wait3A] : memref<512xi32, #tpu.memory_space<vmem>> -> memref<128xi32, #tpu.memory_space<vmem>>
    %dma_wait3A_8 = arith.constant 0 : i32
    %dma_wait3A_9 = arith.constant 0 : i32
    %dma_wait3A_10 = tpu.memref_slice %arg2[%dma_wait3A_8, %dma_wait3A_9] : memref<6060x128xi32, #tpu.memory_space<hbm>> -> memref<6060x128xi32, #tpu.memory_space<hbm>>
    tpu.wait_indirect_dma semaphore(%arg8 : memref<!tpu.dma_semaphore, #tpu.memory_space<semaphore_mem>>) src(%dma_wait3A_10 : memref<6060x128xi32, #tpu.memory_space<hbm>>) dst(%arg6 : memref<128x128xi32, #tpu.memory_space<vmem>>)
    %dma_start3A_11 = arith.constant 128 : i32
    %dma_start3A_12 = tpu.memref_slice %arg5[%dma_start3A_11] : memref<512xi32, #tpu.memory_space<vmem>> -> memref<128xi32, #tpu.memory_space<vmem>>
    %dma_start3A_13 = arith.constant 0 : i32
    %dma_start3A_14 = arith.constant 0 : i32
    %dma_start3A_15 = tpu.memref_slice %arg2[%dma_start3A_13, %dma_start3A_14] : memref<6060x128xi32, #tpu.memory_space<hbm>> -> memref<6060x128xi32, #tpu.memory_space<hbm>>
    tpu.enqueue_indirect_dma source(%dma_start3A_15 : memref<6060x128xi32, #tpu.memory_space<hbm>>) target(%arg7 : memref<128x128xi32, #tpu.memory_space<vmem>>) offsets(%dma_start3A_12 : memref<128xi32, #tpu.memory_space<vmem>>) semaphore(%arg9 : memref<!tpu.dma_semaphore, #tpu.memory_space<semaphore_mem>>)
    %add3A_16 = arith.constant 0 : i32
    %add3A_17 = arith.addi %mul3A_2, %add3A_16 : i32
    %dma_start3A_18 = arith.constant 0 : i32
    %dma_start3A_19 = tpu.memref_slice %arg4[%add3A_17, %dma_start3A_18] : memref<16384x128xi32, #tpu.memory_space<hbm>> -> memref<128x128xi32, #tpu.memory_space<hbm>>
    %dma_start3A_20 = arith.constant 0 : i32
    %dma_start3A_21 = tpu.memref_slice %arg4[%add3A_17, %dma_start3A_20] : memref<16384x128xi32, #tpu.memory_space<hbm>> -> memref<128x128xi32, #tpu.memory_space<hbm>>
    tpu.enqueue_dma source(%arg6 : memref<128x128xi32, #tpu.memory_space<vmem>>) target(%dma_start3A_21 : memref<128x128xi32, #tpu.memory_space<hbm>>) target_semaphore(%arg10 : memref<!tpu.dma_semaphore, #tpu.memory_space<semaphore_mem>>)
    %dma_wait3A_22 = arith.constant 128 : i32
    %dma_wait3A_23 = tpu.memref_slice %arg5[%dma_wait3A_22] : memref<512xi32, #tpu.memory_space<vmem>> -> memref<128xi32, #tpu.memory_space<vmem>>
    %dma_wait3A_24 = arith.constant 0 : i32
    %dma_wait3A_25 = arith.constant 0 : i32
    %dma_wait3A_26 = tpu.memref_slice %arg2[%dma_wait3A_24, %dma_wait3A_25] : memref<6060x128xi32, #tpu.memory_space<hbm>> -> memref<6060x128xi32, #tpu.memory_space<hbm>>
    tpu.wait_indirect_dma semaphore(%arg9 : memref<!tpu.dma_semaphore, #tpu.memory_space<semaphore_mem>>) src(%dma_wait3A_26 : memref<6060x128xi32, #tpu.memory_space<hbm>>) dst(%arg7 : memref<128x128xi32, #tpu.memory_space<vmem>>)
    %dma_wait3A_27 = arith.constant 0 : i32
    %dma_wait3A_28 = tpu.memref_slice %arg4[%add3A_17, %dma_wait3A_27] : memref<16384x128xi32, #tpu.memory_space<hbm>> -> memref<128x128xi32, #tpu.memory_space<hbm>>
    %dma_wait3A_29 = arith.constant 0 : i32
    %dma_wait3A_30 = tpu.memref_slice %arg4[%add3A_17, %dma_wait3A_29] : memref<16384x128xi32, #tpu.memory_space<hbm>> -> memref<128x128xi32, #tpu.memory_space<hbm>>
    tpu.wait_dma2 semaphore(%arg10 : memref<!tpu.dma_semaphore, #tpu.memory_space<semaphore_mem>>) src(%arg6 : memref<128x128xi32, #tpu.memory_space<vmem>>) dst(%dma_wait3A_30 : memref<128x128xi32, #tpu.memory_space<hbm>>)
    %dma_start3A_31 = arith.constant 256 : i32
    %dma_start3A_32 = tpu.memref_slice %arg5[%dma_start3A_31] : memref<512xi32, #tpu.memory_space<vmem>> -> memref<128xi32, #tpu.memory_space<vmem>>
    %dma_start3A_33 = arith.constant 0 : i32
    %dma_start3A_34 = arith.constant 0 : i32
    %dma_start3A_35 = tpu.memref_slice %arg2[%dma_start3A_33, %dma_start3A_34] : memref<6060x128xi32, #tpu.memory_space<hbm>> -> memref<6060x128xi32, #tpu.memory_space<hbm>>
    tpu.enqueue_indirect_dma source(%dma_start3A_35 : memref<6060x128xi32, #tpu.memory_space<hbm>>) target(%arg6 : memref<128x128xi32, #tpu.memory_space<vmem>>) offsets(%dma_start3A_32 : memref<128xi32, #tpu.memory_space<vmem>>) semaphore(%arg8 : memref<!tpu.dma_semaphore, #tpu.memory_space<semaphore_mem>>)
    %add3A_36 = arith.constant 128 : i32
    %add3A_37 = arith.addi %mul3A_2, %add3A_36 : i32
    %dma_start3A_38 = arith.constant 0 : i32
    %dma_start3A_39 = tpu.memref_slice %arg4[%add3A_37, %dma_start3A_38] : memref<16384x128xi32, #tpu.memory_space<hbm>> -> memref<128x128xi32, #tpu.memory_space<hbm>>
    %dma_start3A_40 = arith.constant 0 : i32
    %dma_start3A_41 = tpu.memref_slice %arg4[%add3A_37, %dma_start3A_40] : memref<16384x128xi32, #tpu.memory_space<hbm>> -> memref<128x128xi32, #tpu.memory_space<hbm>>
    tpu.enqueue_dma source(%arg7 : memref<128x128xi32, #tpu.memory_space<vmem>>) target(%dma_start3A_41 : memref<128x128xi32, #tpu.memory_space<hbm>>) target_semaphore(%arg11 : memref<!tpu.dma_semaphore, #tpu.memory_space<semaphore_mem>>)
    %dma_wait3A_42 = arith.constant 256 : i32
    %dma_wait3A_43 = tpu.memref_slice %arg5[%dma_wait3A_42] : memref<512xi32, #tpu.memory_space<vmem>> -> memref<128xi32, #tpu.memory_space<vmem>>
    %dma_wait3A_44 = arith.constant 0 : i32
    %dma_wait3A_45 = arith.constant 0 : i32
    %dma_wait3A_46 = tpu.memref_slice %arg2[%dma_wait3A_44, %dma_wait3A_45] : memref<6060x128xi32, #tpu.memory_space<hbm>> -> memref<6060x128xi32, #tpu.memory_space<hbm>>
    tpu.wait_indirect_dma semaphore(%arg8 : memref<!tpu.dma_semaphore, #tpu.memory_space<semaphore_mem>>) src(%dma_wait3A_46 : memref<6060x128xi32, #tpu.memory_space<hbm>>) dst(%arg6 : memref<128x128xi32, #tpu.memory_space<vmem>>)
    %dma_wait3A_47 = arith.constant 0 : i32
    %dma_wait3A_48 = tpu.memref_slice %arg4[%add3A_37, %dma_wait3A_47] : memref<16384x128xi32, #tpu.memory_space<hbm>> -> memref<128x128xi32, #tpu.memory_space<hbm>>
    %dma_wait3A_49 = arith.constant 0 : i32
    %dma_wait3A_50 = tpu.memref_slice %arg4[%add3A_37, %dma_wait3A_49] : memref<16384x128xi32, #tpu.memory_space<hbm>> -> memref<128x128xi32, #tpu.memory_space<hbm>>
    tpu.wait_dma2 semaphore(%arg11 : memref<!tpu.dma_semaphore, #tpu.memory_space<semaphore_mem>>) src(%arg7 : memref<128x128xi32, #tpu.memory_space<vmem>>) dst(%dma_wait3A_50 : memref<128x128xi32, #tpu.memory_space<hbm>>)
    %dma_start3A_51 = arith.constant 384 : i32
    %dma_start3A_52 = tpu.memref_slice %arg5[%dma_start3A_51] : memref<512xi32, #tpu.memory_space<vmem>> -> memref<128xi32, #tpu.memory_space<vmem>>
    %dma_start3A_53 = arith.constant 0 : i32
    %dma_start3A_54 = arith.constant 0 : i32
    %dma_start3A_55 = tpu.memref_slice %arg2[%dma_start3A_53, %dma_start3A_54] : memref<6060x128xi32, #tpu.memory_space<hbm>> -> memref<6060x128xi32, #tpu.memory_space<hbm>>
    tpu.enqueue_indirect_dma source(%dma_start3A_55 : memref<6060x128xi32, #tpu.memory_space<hbm>>) target(%arg7 : memref<128x128xi32, #tpu.memory_space<vmem>>) offsets(%dma_start3A_52 : memref<128xi32, #tpu.memory_space<vmem>>) semaphore(%arg9 : memref<!tpu.dma_semaphore, #tpu.memory_space<semaphore_mem>>)
    %add3A_56 = arith.constant 256 : i32
    %add3A_57 = arith.addi %mul3A_2, %add3A_56 : i32
    %dma_start3A_58 = arith.constant 0 : i32
    %dma_start3A_59 = tpu.memref_slice %arg4[%add3A_57, %dma_start3A_58] : memref<16384x128xi32, #tpu.memory_space<hbm>> -> memref<128x128xi32, #tpu.memory_space<hbm>>
    %dma_start3A_60 = arith.constant 0 : i32
    %dma_start3A_61 = tpu.memref_slice %arg4[%add3A_57, %dma_start3A_60] : memref<16384x128xi32, #tpu.memory_space<hbm>> -> memref<128x128xi32, #tpu.memory_space<hbm>>
    tpu.enqueue_dma source(%arg6 : memref<128x128xi32, #tpu.memory_space<vmem>>) target(%dma_start3A_61 : memref<128x128xi32, #tpu.memory_space<hbm>>) target_semaphore(%arg10 : memref<!tpu.dma_semaphore, #tpu.memory_space<semaphore_mem>>)
    %dma_wait3A_62 = arith.constant 384 : i32
    %dma_wait3A_63 = tpu.memref_slice %arg5[%dma_wait3A_62] : memref<512xi32, #tpu.memory_space<vmem>> -> memref<128xi32, #tpu.memory_space<vmem>>
    %dma_wait3A_64 = arith.constant 0 : i32
    %dma_wait3A_65 = arith.constant 0 : i32
    %dma_wait3A_66 = tpu.memref_slice %arg2[%dma_wait3A_64, %dma_wait3A_65] : memref<6060x128xi32, #tpu.memory_space<hbm>> -> memref<6060x128xi32, #tpu.memory_space<hbm>>
    tpu.wait_indirect_dma semaphore(%arg9 : memref<!tpu.dma_semaphore, #tpu.memory_space<semaphore_mem>>) src(%dma_wait3A_66 : memref<6060x128xi32, #tpu.memory_space<hbm>>) dst(%arg7 : memref<128x128xi32, #tpu.memory_space<vmem>>)
    %add3A_67 = arith.constant 384 : i32
    %add3A_68 = arith.addi %mul3A_2, %add3A_67 : i32
    %dma_start3A_69 = arith.constant 0 : i32
    %dma_start3A_70 = tpu.memref_slice %arg4[%add3A_68, %dma_start3A_69] : memref<16384x128xi32, #tpu.memory_space<hbm>> -> memref<128x128xi32, #tpu.memory_space<hbm>>
    %dma_start3A_71 = arith.constant 0 : i32
    %dma_start3A_72 = tpu.memref_slice %arg4[%add3A_68, %dma_start3A_71] : memref<16384x128xi32, #tpu.memory_space<hbm>> -> memref<128x128xi32, #tpu.memory_space<hbm>>
    tpu.enqueue_dma source(%arg7 : memref<128x128xi32, #tpu.memory_space<vmem>>) target(%dma_start3A_72 : memref<128x128xi32, #tpu.memory_space<hbm>>) target_semaphore(%arg11 : memref<!tpu.dma_semaphore, #tpu.memory_space<semaphore_mem>>)
    %dma_wait3A_73 = arith.constant 0 : i32
    %dma_wait3A_74 = tpu.memref_slice %arg4[%add3A_57, %dma_wait3A_73] : memref<16384x128xi32, #tpu.memory_space<hbm>> -> memref<128x128xi32, #tpu.memory_space<hbm>>
    %dma_wait3A_75 = arith.constant 0 : i32
    %dma_wait3A_76 = tpu.memref_slice %arg4[%add3A_57, %dma_wait3A_75] : memref<16384x128xi32, #tpu.memory_space<hbm>> -> memref<128x128xi32, #tpu.memory_space<hbm>>
    tpu.wait_dma2 semaphore(%arg10 : memref<!tpu.dma_semaphore, #tpu.memory_space<semaphore_mem>>) src(%arg6 : memref<128x128xi32, #tpu.memory_space<vmem>>) dst(%dma_wait3A_76 : memref<128x128xi32, #tpu.memory_space<hbm>>)
    %dma_wait3A_77 = arith.constant 0 : i32
    %dma_wait3A_78 = tpu.memref_slice %arg4[%add3A_68, %dma_wait3A_77] : memref<16384x128xi32, #tpu.memory_space<hbm>> -> memref<128x128xi32, #tpu.memory_space<hbm>>
    %dma_wait3A_79 = arith.constant 0 : i32
    %dma_wait3A_80 = tpu.memref_slice %arg4[%add3A_68, %dma_wait3A_79] : memref<16384x128xi32, #tpu.memory_space<hbm>> -> memref<128x128xi32, #tpu.memory_space<hbm>>
    tpu.wait_dma2 semaphore(%arg11 : memref<!tpu.dma_semaphore, #tpu.memory_space<semaphore_mem>>) src(%arg7 : memref<128x128xi32, #tpu.memory_space<vmem>>) dst(%dma_wait3A_80 : memref<128x128xi32, #tpu.memory_space<hbm>>)
    return
  }
}

module attributes {stable_mosaic.version = 14 : i64} {
  func.func @_mlp_body(%arg0: i32, %arg1: memref<2048x128xi32, #tpu.memory_space<vmem>>, %arg2: memref<256x1024xf32, #tpu.memory_space<vmem>>, %arg3: memref<1x1024xf32, #tpu.memory_space<vmem>>, %arg4: memref<1024x1024xf32, #tpu.memory_space<vmem>>, %arg5: memref<1x1024xf32, #tpu.memory_space<vmem>>, %arg6: memref<2048x1024xf32, #tpu.memory_space<vmem>>) attributes {dimension_semantics = [#tpu.dimension_semantics<arbitrary>], iteration_bounds = array<i64: 8>, scalar_prefetch = 0 : i64, scratch_operands = 0 : i64, tpu.core_type = #tpu.core_type<tc>, window_params = [{transform_indices = @transform_0, window_bounds = array<i64: 2048, 128>}, {pipeline_mode = #tpu.pipeline_mode<synchronous>, transform_indices = @transform_1, window_bounds = array<i64: 256, 1024>}, {pipeline_mode = #tpu.pipeline_mode<synchronous>, transform_indices = @transform_2, window_bounds = array<i64: 1, 1024>}, {pipeline_mode = #tpu.pipeline_mode<synchronous>, transform_indices = @transform_3, window_bounds = array<i64: 1024, 1024>}, {pipeline_mode = #tpu.pipeline_mode<synchronous>, transform_indices = @transform_4, window_bounds = array<i64: 1, 1024>}, {transform_indices = @transform_5, window_bounds = array<i64: 2048, 1024>}]} {
    %get3A = arith.constant 0 : index
    %get3A_0 = arith.constant 0 : index
    %get3A_1 = vector.load %arg1[%get3A, %get3A_0] : memref<2048x128xi32, #tpu.memory_space<vmem>>, vector<2048x128xi32>
    %shift_left3A = arith.constant 16 : i32
    %shift_left3A_2 = vector.broadcast %shift_left3A : i32 to vector<2048x128xi32>
    %shift_left3A_3 = arith.shli %get3A_1, %shift_left3A_2 : vector<2048x128xi32>
    %bitcast_convert_type3A = tpu.bitcast %shift_left3A_3 : vector<2048x128xi32> -> vector<2048x128xf32>
    %shift_right_logical3A = arith.constant 16 : i32
    %shift_right_logical3A_4 = vector.broadcast %shift_right_logical3A : i32 to vector<2048x128xi32>
    %shift_right_logical3A_5 = arith.shrui %get3A_1, %shift_right_logical3A_4 : vector<2048x128xi32>
    %shift_left3A_6 = arith.constant 16 : i32
    %shift_left3A_7 = vector.broadcast %shift_left3A_6 : i32 to vector<2048x128xi32>
    %shift_left3A_8 = arith.shli %shift_right_logical3A_5, %shift_left3A_7 : vector<2048x128xi32>
    %bitcast_convert_type3A_9 = tpu.bitcast %shift_left3A_8 : vector<2048x128xi32> -> vector<2048x128xf32>
    %concatenate3A = tpu.concatenate %bitcast_convert_type3A, %bitcast_convert_type3A_9 in 1 : vector<2048x128xf32>, vector<2048x128xf32> -> vector<2048x256xf32>
    %convert_element_type3A = arith.truncf %concatenate3A : vector<2048x256xf32> to vector<2048x256xbf16>
    %get3A_10 = arith.constant 0 : index
    %get3A_11 = arith.constant 0 : index
    %get3A_12 = vector.load %arg2[%get3A_10, %get3A_11] : memref<256x1024xf32, #tpu.memory_space<vmem>>, vector<256x1024xf32>
    %convert_element_type3A_13 = arith.truncf %get3A_12 : vector<256x1024xf32> to vector<256x1024xbf16>
    %dot_general3A = arith.constant dense<0.000000e+00> : vector<2048x1024xf32>
    %dot_general3A_14 = tpu.matmul %convert_element_type3A, %convert_element_type3A_13, %dot_general3A {dimension_numbers = #tpu.dot_dimension_numbers<[1], [0], [0], [1], [0, 0, 1, 1], [], []>, transpose_lhs_hint = false} : vector<2048x256xbf16>, vector<256x1024xbf16>, vector<2048x1024xf32> -> vector<2048x1024xf32>
    %get3A_15 = arith.constant 0 : index
    %get3A_16 = arith.constant 0 : index
    %get3A_17 = vector.load %arg3[%get3A_15, %get3A_16] : memref<1x1024xf32, #tpu.memory_space<vmem>>, vector<1x1024xf32>
    %add3A = vector.broadcast %get3A_17 : vector<1x1024xf32> to vector<2048x1024xf32>
    %add3A_18 = arith.addf %dot_general3A_14, %add3A : vector<2048x1024xf32>
    %max3A = arith.constant 0.000000e+00 : f32
    %max3A_19 = vector.broadcast %max3A : f32 to vector<2048x1024xf32>
    %max3A_20 = arith.maximumf %add3A_18, %max3A_19 : vector<2048x1024xf32>
    %convert_element_type3A_21 = arith.truncf %max3A_20 : vector<2048x1024xf32> to vector<2048x1024xbf16>
    %get3A_22 = arith.constant 0 : index
    %get3A_23 = arith.constant 0 : index
    %get3A_24 = vector.load %arg4[%get3A_22, %get3A_23] : memref<1024x1024xf32, #tpu.memory_space<vmem>>, vector<1024x1024xf32>
    %convert_element_type3A_25 = arith.truncf %get3A_24 : vector<1024x1024xf32> to vector<1024x1024xbf16>
    %dot_general3A_26 = arith.constant dense<0.000000e+00> : vector<2048x1024xf32>
    %dot_general3A_27 = tpu.matmul %convert_element_type3A_21, %convert_element_type3A_25, %dot_general3A_26 {dimension_numbers = #tpu.dot_dimension_numbers<[1], [0], [0], [1], [0, 0, 1, 1], [], []>, transpose_lhs_hint = false} : vector<2048x1024xbf16>, vector<1024x1024xbf16>, vector<2048x1024xf32> -> vector<2048x1024xf32>
    %get3A_28 = arith.constant 0 : index
    %get3A_29 = arith.constant 0 : index
    %get3A_30 = vector.load %arg5[%get3A_28, %get3A_29] : memref<1x1024xf32, #tpu.memory_space<vmem>>, vector<1x1024xf32>
    %add3A_31 = vector.broadcast %get3A_30 : vector<1x1024xf32> to vector<2048x1024xf32>
    %add3A_32 = arith.addf %dot_general3A_27, %add3A_31 : vector<2048x1024xf32>
    %swap3A = arith.constant 0 : index
    %swap3A_33 = arith.constant 0 : index
    %swap3A_34 = vector.load %arg6[%swap3A, %swap3A_33] : memref<2048x1024xf32, #tpu.memory_space<vmem>>, vector<2048x1024xf32>
    tpu.vector_store %arg6[%swap3A, %swap3A_33], %add3A_32 {strides = array<i32>} : memref<2048x1024xf32, #tpu.memory_space<vmem>>, vector<2048x1024xf32>,
    return
  }
  func.func @transform_0(%arg0: i32) -> (i32, i32) {
    %c0_i32 = arith.constant 0 : i32
    %c0_i32_0 = arith.constant 0 : i32
    return %arg0, %c0_i32 : i32, i32
  }
  func.func @transform_1(%arg0: i32) -> (i32, i32) {
    %c0_i32 = arith.constant 0 : i32
    %c0_i32_0 = arith.constant 0 : i32
    %c0_i32_1 = arith.constant 0 : i32
    return %c0_i32, %c0_i32_0 : i32, i32
  }
  func.func @transform_2(%arg0: i32) -> (i32, i32) {
    %c0_i32 = arith.constant 0 : i32
    %c0_i32_0 = arith.constant 0 : i32
    %c0_i32_1 = arith.constant 0 : i32
    return %c0_i32, %c0_i32_0 : i32, i32
  }
  func.func @transform_3(%arg0: i32) -> (i32, i32) {
    %c0_i32 = arith.constant 0 : i32
    %c0_i32_0 = arith.constant 0 : i32
    %c0_i32_1 = arith.constant 0 : i32
    return %c0_i32, %c0_i32_0 : i32, i32
  }
  func.func @transform_4(%arg0: i32) -> (i32, i32) {
    %c0_i32 = arith.constant 0 : i32
    %c0_i32_0 = arith.constant 0 : i32
    %c0_i32_1 = arith.constant 0 : i32
    return %c0_i32, %c0_i32_0 : i32, i32
  }
  func.func @transform_5(%arg0: i32) -> (i32, i32) {
    %c0_i32 = arith.constant 0 : i32
    %c0_i32_0 = arith.constant 0 : i32
    return %arg0, %c0_i32 : i32, i32
  }
}

</mosaic_0001>

<sc_bundles>
// kernel: kernel.4.cloned.1.call-start
scs
__scs_entry_jumppad:
0x0: {  	(pc) =	sbr.rel $0x88, $3  }
0x1: {  	(tag) =	ssettag $0x0;
	lr =	simm.s32 $0x1  }
0x2: {  	[smem:$0x3F97] =	sst lr;
	_ =	strace $0xD0000000  }
0x3: {  	_ = 	snop  }
0x4: {  	_ = 	snop  }
0x5: {  	_ = 	snop  }
0x6: {  	_ = 	snop  }
0x7: {  	_ = 	snop  }
__scs_overlays_trampoline_lowered:
0x8: {  	[smem:$0x3FA6] =	sst s0  }
0x9: {  	[smem:$0x3FA7] =	sst s1  }
0xa: {  	[smem:$0x3FA8] =	sst s2  }
0xb: {  	[smem:$0x3FA9] =	sst s3  }
0xc: {  	[smem:$0x3FAA] =	sst s4  }
0xd: {  	[smem:$0x3FAB] =	sst s5  }
0xe: {  	[smem:$0x3FAC] =	sst s6  }
0xf: {  	[smem:$0x3FAD] =	sst s7  }
0x10: {  	[smem:$0x3FAE] =	sst s8  }
0x11: {  	[smem:$0x3FAF] =	sst s9;
	s0 =	simm.s32 @!p0 $0x0  }
0x12: {  	s1 =	sld [smem:$0x3F95];
	s0 =	simm.s32 @p0 $0x1  }
0x13: {  	[smem:$0x3FB0] =	sst s0;
	s0 =	simm.s32 @!p1 $0x0  }
0x14: {  	s2 =	sld [smem:$0x3F94];
	s0 =	simm.s32 @p1 $0x1  }
0x15: {  	[smem:$0x3FB1] =	sst s0;
	s0 =	simm.s32 @!p2 $0x0  }
0x16: {  	s3 =	sld [smem:$0x3FDB];
	s0 =	simm.s32 @p2 $0x1  }
0x17: {  	s4 =	simm.s32 $0x1BF5;
	[smem:$0x3FB3] =	sst s0  }
0x18: {  	s0 =	sld [smem:$0x3F96];
	_ =	swait.ge [sflag:s4], $0x0  }
0x19: {  	s7 =	sld [smem:$0x3F97]  }
0x1a: {  	s8 =	sadd.s32 $0xFFFFE003, lr  }
0x1b: {  	s9 =	sadd.s32 $0xFFFFFEF7, lr;
	s5 =	simm.s32 $0xFFFFFFFF;
	p2 =	slt.u32 s8, $0xFFFFF086  }
0x1c: {  	p1 =	slt.u32 s9, $0xF7A;
	s5 =	simm.s32 @!p2 $0x0  }
0x1d: {  	s5 =	simm.s32 @p1 $0x1;
	p0 =	seq.s32 s7, s2  }
0x1e: {  	s7 =	smul.u32 @!p0 $0xF7A, s2;
	p2 =	seq.s32 @!p0 s5, $0x0  }
0x1f: {  	s9 =	smul.u32 $0xF7A, s1;
	s8 =	simm.s32 @!p0 $0x1BF5;
	p2 =	por !p2, p0  }
0x20: {  	[sflag:s8] =	ssyncset.s32 @!p0 $0xFFFFF086;
	s6 =	sadd.s32 @!p0 s3, s7;
	s7 =	simm.s32 @!p0 $0x108  }
0x21: {  	s3 =	sadd.s32 s3, s9;
	s6 =	sadd.s32 @!p0 $0x88, s6;
	s7 =	simm.s32 @p2 $0x1082  }
0x22: {  	[simem:s7], [sflag:s8] =	dma.local @!p0 [hbm:s6], $0xF7A  }
0x23: {  	s9 =	sor.u32 $0xD0000000, s2;
	s6 =	simm.s32 $0x108;
	_ =	swait.ge @!p0 [sflag:s8], $0x0  }
0x24: {  	s3 =	sadd.s32 $0x88, s3;
	s6 =	simm.s32 @!p1 $0x1082;
	[sflag:s4] =	ssyncset.s32 $0xFFFFF086  }
0x25: {  	[simem:s6], [sflag:s4] =	dma.local [hbm:s3], $0xF7A  }
0x26: {  	[smem:$0x3F97] =	sst s1;
	(tag) =	ssettag s2;
	_ =	strace s9  }
0x27: {  	s1 =	sld [smem:$0x3FA7]  }
0x28: {  	s2 =	sld [smem:$0x3FA8]  }
0x29: {  	s4 =	sld [smem:$0x3FAA]  }
0x2a: {  	p0 =	seq.s32 s5, $0x0;
	s5 =	sld [smem:$0x3FAB]  }
0x2b: {  	s6 =	sld [smem:$0x3FAC]  }
0x2c: {  	s7 =	sld [smem:$0x3FAD]  }
0x2d: {  	s3 =	simm.s32 $0x108;
	s8 =	sld [smem:$0x3FAE]  }
0x2e: {  	s3 =	simm.s32 @!p0 $0x1082;
	s9 =	sld [smem:$0x3FAF]  }
0x2f: {  	lr =	sadd.s32 s0, s3;
	s0 =	sld [smem:$0x3FA6]  }
0x30: {  	s3 =	sld [smem:$0x3FA9]  }
0x31: {  	[smem:$0x3FB2] =	sst s10  }
0x32: {  	s10 =	sld [smem:$0x3FB0];
	_ =	sdelay $0x3  }
0x33: {  	p0 =	seq.s32 s10, $0x1;
	s10 =	sld [smem:$0x3FB2];
	_ =	sdelay $0x3  }
0x34: {  	[smem:$0x3FB2] =	sst s10  }
0x35: {  	s10 =	sld [smem:$0x3FB1];
	_ =	sdelay $0x3  }
0x36: {  	p1 =	seq.s32 s10, $0x1;
	s10 =	sld [smem:$0x3FB2];
	_ =	sdelay $0x3  }
0x37: {  	[smem:$0x3FB2] =	sst s10  }
0x38: {  	s10 =	sld [smem:$0x3FB3]  }
0x39: {  	_ = 	snop;
	(pc) =	sbr.ind lr, $3  }
0x3a: {  	_ = 	snop  }
0x3b: {  	_ = 	snop  }
0x3c: {  	p2 =	seq.s32 s10, $0x1;
	s10 =	sld [smem:$0x3FB2]  }
0x3d: {  	_ =	shalt  }
0x3e: {  	_ =	shalt  }
0x3f: {  	_ =	shalt  }
0x40: {  	_ =	shalt  }
0x41: {  	_ =	shalt  }
0x42: {  	_ =	shalt  }
0x43: {  	_ =	shalt  }
0x44: {  	_ =	shalt  }
0x45: {  	_ =	shalt  }
0x46: {  	_ =	shalt  }
0x47: {  	_ =	shalt  }
0x48: {  	_ =	shalt  }
0x49: {  	_ =	shalt  }
0x4a: {  	_ =	shalt  }
0x4b: {  	_ =	shalt  }
0x4c: {  	_ =	shalt  }
0x4d: {  	_ =	shalt  }
0x4e: {  	_ =	shalt  }
0x4f: {  	_ =	shalt  }
0x50: {  	_ =	shalt  }
0x51: {  	_ =	shalt  }
0x52: {  	_ =	shalt  }
0x53: {  	_ =	shalt  }
0x54: {  	_ =	shalt  }
0x55: {  	_ =	shalt  }
0x56: {  	_ =	shalt  }
0x57: {  	_ =	shalt  }
0x58: {  	_ =	shalt  }
0x59: {  	_ =	shalt  }
0x5a: {  	_ =	shalt  }
0x5b: {  	_ =	shalt  }
0x5c: {  	_ =	shalt  }
0x5d: {  	_ =	shalt  }
0x5e: {  	_ =	shalt  }
0x5f: {  	_ =	shalt  }
0x60: {  	_ =	shalt  }
0x61: {  	_ =	shalt  }
0x62: {  	_ =	shalt  }
0x63: {  	_ =	shalt  }
0x64: {  	_ =	shalt  }
0x65: {  	_ =	shalt  }
0x66: {  	_ =	shalt  }
0x67: {  	_ =	shalt  }
0x68: {  	_ =	shalt  }
0x69: {  	_ =	shalt  }
0x6a: {  	_ =	shalt  }
0x6b: {  	_ =	shalt  }
0x6c: {  	_ =	shalt  }
0x6d: {  	_ =	shalt  }
0x6e: {  	_ =	shalt  }
0x6f: {  	_ =	shalt  }
0x70: {  	_ =	shalt  }
0x71: {  	_ =	shalt  }
0x72: {  	_ =	shalt  }
0x73: {  	_ =	shalt  }
0x74: {  	_ =	shalt  }
0x75: {  	_ =	shalt  }
0x76: {  	_ =	shalt  }
0x77: {  	_ =	shalt  }
0x78: {  	_ =	shalt  }
0x79: {  	_ =	shalt  }
0x7a: {  	_ =	shalt  }
0x7b: {  	_ =	shalt  }
0x7c: {  	_ =	shalt  }
0x7d: {  	_ =	shalt  }
0x7e: {  	_ =	shalt  }
0x7f: {  	_ =	shalt  }
0x80: {  	_ =	shalt  }
0x81: {  	_ =	shalt  }
0x82: {  	_ =	shalt  }
0x83: {  	_ =	shalt  }
0x84: {  	_ =	shalt  }
0x85: {  	_ =	shalt  }
0x86: {  	_ =	shalt  }
0x87: {  	_ =	shalt  }
.Lfunc_end0:
.L_simem_size_0:
called_computation_lowered:
.L_overlay_start_0:
0x88: {  	s2 =	sld [smem:$0x3FD9]  }
0x89: {  	s3 =	sld [smem:$0x3FFE];
	_ =	sdelay $0x1  }
0x8a: {  	s1 =	srdreg.scid  }
0x8b: {  	s0 =	sand.u32 $0x1, s1  }
0x8c: {  	s17 =	sshll.u32 s0, $0xA;
	s2 =	sadd.s32 s3, s2  }
0x8d: {  	s2 =	sadd.s32 s2, s17  }
0x8e: {  	[smem:$0x3FBE] =	sst s2  }
0x8f: {  	_ = 	snop  }
0x90: {  	s2 =	sld [smem:$0x3FD0];
	(tm) =	ssettm $0x1  }
0x91: {  	s18 =	sld [smem:$0x3FFB];
	_ =	sdelay $0x3  }
0x92: {  	_ =	strace s18  }
0x93: {  	s3 =	sld [smem:$0x3FFC];
	_ =	sdelay $0x3  }
0x94: {  	_ =	strace s3  }
0x95: {  	s3 =	sld [smem:$0x3FFD];
	_ =	sdelay $0x3  }
0x96: {  	_ =	strace s3  }
0x97: {  	_ =	strace $0x8FFFFFFF  }
0x98: {  	s19 =	sld [smem:$0x3FDB];
	_ =	sdelay $0x1  }
0x99: {  	s4 =	simm.s32 $_scs_section_size  }
0x9a: {  	s5 =	simm.s32 $_size__tile_overlayer_lowered;
	s6 =	simm.s32 $_tile_overlayer_lowered  }
0x9b: {  	s22 =	simm.s32 $0x1BFF;
	s21 =	sshll.u32 s6, $0x1;
	s3 =	sadd.s32 s4, s19  }
0x9c: {  	s7 =	simm.s32 $0x0;
	s20 =	sshll.u32 s5, $0x1;
	s5 =	sadd.s32 s21, s3  }
0x9d: {  	[timem:s7], [sflag:s22] =	dma.local [hbm:s5], s20  }
0x9e: {  	_ =	swait.ge [sflag:s22], s20  }
0x9f: {  	s4 =	ssub.s32 $0x0, s20;
	[sflag:s22] =	ssyncset.done $0x0  }
0xa0: {  	[sflag:s22] =	ssyncadd.s32 s4;
	_ =	sdelay $0x1  }
0xa1: {  	s23 =	simm.s32 $0x1B8B  }
0xa2: {  	_ =	swait.ge [sflag:s23], $0x1  }
0xa3: {  	[sflag:s23] =	ssyncset.done $0x0  }
0xa4: {  	s25 =	simm.s32 $0x1B8E;
	s24 =	sld [smem:$0x3FFE];
	[sflag:s23] =	ssyncadd.s32 $0xFFFFFFFF  }
0xa5: {  	s26 =	simm.s32 $execute0_lowered;
	[smem:$0x3FD2] =	sst s25  }
0xa6: {  	s5 =	sshll.u32 s26, $0x1;
	_ =	strace $0x80000046;
	[dreg:$0x1] =	wrdreg $0xFFFFFFFF  }
0xa7: {  	s28 =	simm.s32 $_size_execute0_lowered;
	s3 =	sadd.s32 s3, s5;
	[dreg:$0x0] =	wrdreg $0x0  }
0xa8: {  	s5 =	sshll.u32 s28, $0x1;
	[dreg:$0x2] =	wrdreg s3  }
0xa9: {  	[dreg:$0x3] =	wrdreg s5  }
0xaa: {  	[dreg:$0x4] =	wrdreg $0xC0  }
0xab: {  	_ =	task [dreg:s7], $0x5FFFF  }
0xac: {  	[dreg:$0x1] =	wrdreg $0xFFFFFFFF  }
0xad: {  	[dreg:$0x0] =	wrdreg $0x60  }
0xae: {  	[dreg:$0x2] =	wrdreg s24  }
0xaf: {  	[dreg:$0x3] =	wrdreg s2  }
0xb0: {  	[dreg:$0x4] =	wrdreg $0x9  }
0xb1: {  	_ =	task.clear_ibuf [dreg:s7], $0x5FFFF;
	_ =	strace $0x90000046  }
0xb2: {  	s29 =	simm.s32 $0x9;
	_ =	strace $0x80000048  }
0xb3: {  	_ =	swait.ge [sflag:s29], $0x1  }
0xb4: {  	[sflag:s29] =	ssyncadd.s32 $0xFFFFFFFF  }
0xb5: {  	_ =	strace $0x90000048  }
0xb6: {  	_ =	sfence  }
0xb7: {  	s30 =	sld [smem:$0x0];
	_ =	sdelay $0x2  }
0xb8: {  	s31 =	sshll.u32 s1, $0xD;
	s1 =	sshrl.u32 s1, $0x2  }
0xb9: {  	s3 =	sand.u32 $0x4000, s31;
	s1 =	sadd.s32 s1, s30  }
0xba: {  	s0 =	sor.u32 s3, s0;
	s1 =	sshll.u32 s1, $0x11  }
0xbb: {  	s0 =	sor.u32 s1, s0  }
0xbc: {  	s0 =	sadd.s32 $0x8F2B, s0  }
0xbd: {  	[sflag:s0] =	ssyncadd.remote.s32 $0x1  }
0xbe: {  	_ =	sfence.sel $0xFFFF  }
0xbf: {  	[dreg:$0x0] =	wrdreg $0xFFFFFFFF;
	(pc) =	sbr.abs _section_cstart, $3  }
0xc0: {  	[dreg:$0x1] =	wrdreg $0xFFFFFFFF  }
0xc1: {  	_ =	task.clear_ibuf [dreg:s7], $0x2FFFF;
	_ =	strace $0x9FFFFFFF  }
0xc2: {  	(tm) =	ssettm $0x7FFFFFFF  }
0xc3: {  	_ =	shalt  }
tec
execute0_lowered:
.L_overlay_start_1:
0x0: {  	(tag) =	ssettag $0x1  }
0x1: {  	s1 =	srdreg.scid  }
0x2: {  	s0 =	stileid.u32;
	s18 =	sand.u32 $0x1, s1  }
0x3: {  	s31 =	sshll.u32 s0, $0xA;
	s2 =	sshll.u32 s18, $0x9  }
0x4: {  	s5 =	rddreg [dreg:$0x0];
	s9 =	sor.u32 s2, s31  }
0x5: {  	s10 =	rddreg [dreg:$0x1];
	s2 =	simm.s32 $0x0;
	s3 =	sshrl.u32 s9, $0x3  }
0x6: {  	s4 =	simm.s32 $0x5;
	[smem:$0x7FF] =	sst s2;
	s3 =	sadd.s32 s3, s5  }
0x7: {  	s1 =	rddreg [dreg:$0x2];
	_ =	strace $0x80000047;
	s3 =	sadd.s32 $0x18000, s3  }
0x8: {  	[tilespmem:s2], [sflag:$0x5] =	stream.linear.gather [hbm4b:s3+s2], $0x200, $0x38;
	[tilespmem:$0x8200] =	vst v63  }
0x9: {  	_ =	swait.ge [sflag:s4], $0x200  }
0xa: {  	s6 =	simm.s32 $0x80;
	s7 =	simm.s32 $0x200;
	[sflag:s4] =	ssyncset.done $0x0  }
0xb: {  	s8 =	simm.s32 $0x1;
	s5 =	sadd.s32 $0x400, s5;
	[sflag:s4] =	ssyncadd.s32 $0xFFFFFE00  }
0xc: {  	[tilespmem:s7], [sflag:$0x1] =	stream.indirect.gather [hbm4b:s5+s6], $0x80, s2, s6, $0xb8;
	[tilespmem:$0x8200] =	vst v63  }
0xd: {  	_ =	swait.ge [sflag:s8], $0x4000  }
0xe: {  	[sflag:s8] =	ssyncset.done $0x0  }
0xf: {  	s11 =	sshll.u32 s9, $0x4;
	s9 =	simm.s32 $0x4200;
	[sflag:s8] =	ssyncadd.s32 $0xFFFFC000  }
0x10: {  	[tilespmem:s9], [sflag:$0x2] =	stream.indirect.gather [hbm4b:s5+s6], $0x80, s6, s6, $0xb8;
	[tilespmem:$0x8200] =	vst v63  }
0x11: {  	s10 =	sadd.s32 s10, s11;
	s11 =	simm.s32 $0x2  }
0x12: {  	[hbm4b:s10+s2] =	stream.linear.scatter [tilespmem:s7], [sflag:$0x3], $0x4000, $0x38;
	[tilespmem:$0x8200] =	vst v63  }
0x13: {  	_ =	swait.ge [sflag:s11], $0x4000  }
0x14: {  	[sflag:s11] =	ssyncset.done $0x0  }
0x15: {  	s12 =	simm.s32 $0x3;
	[sflag:s11] =	ssyncadd.s32 $0xFFFFC000  }
0x16: {  	_ =	swait.ge [sflag:s12], $0x4000  }
0x17: {  	[sflag:s12] =	ssyncset.done $0x0  }
0x18: {  	s13 =	simm.s32 $0x100;
	[sflag:s12] =	ssyncadd.s32 $0xFFFFC000  }
0x19: {  	[tilespmem:s7], [sflag:$0x1] =	stream.indirect.gather [hbm4b:s5+s6], $0x80, s13, s6, $0xb8;
	[tilespmem:$0x8200] =	vst v63  }
0x1a: {  	s14 =	sadd.s32 $0x800, s10  }
0x1b: {  	[hbm4b:s14+s2] =	stream.linear.scatter [tilespmem:s9], [sflag:$0x4], $0x4000, $0x38;
	[tilespmem:$0x8200] =	vst v63  }
0x1c: {  	_ =	swait.ge [sflag:s8], $0x4000  }
0x1d: {  	[sflag:s8] =	ssyncset.done $0x0  }
0x1e: {  	s15 =	simm.s32 $0x4;
	[sflag:s8] =	ssyncadd.s32 $0xFFFFC000  }
0x1f: {  	_ =	swait.ge [sflag:s15], $0x4000  }
0x20: {  	[sflag:s15] =	ssyncset.done $0x0  }
0x21: {  	s16 =	simm.s32 $0x180;
	s19 =	ssub.s32 $0x2, s18;
	[sflag:s15] =	ssyncadd.s32 $0xFFFFC000  }
0x22: {  	[tilespmem:s9], [sflag:$0x2] =	stream.indirect.gather [hbm4b:s5+s6], $0x80, s16, s6, $0xb8;
	[tilespmem:$0x8200] =	vst v63  }
0x23: {  	s20 =	sshrl.u32 s19, $0x1;
	s17 =	sadd.s32 $0x1000, s10  }
0x24: {  	[hbm4b:s17+s2] =	stream.linear.scatter [tilespmem:s7], [sflag:$0x3], $0x4000, $0x38;
	[tilespmem:$0x8200] =	vst v63  }
0x25: {  	s19 =	ssub.s32 s19, s20;
	_ =	swait.ge [sflag:s11], $0x4000  }
0x26: {  	s19 =	smax.u32 s19, $0x1;
	[sflag:s11] =	ssyncset.done $0x0  }
0x27: {  	s18 =	sadd.s32 $0x1800, s10;
	p0 =	sne.s32 s19, $0x1;
	[sflag:s11] =	ssyncadd.s32 $0xFFFFC000  }
0x28: {  	[hbm4b:s18+s2] =	stream.linear.scatter [tilespmem:s9], [sflag:$0x4], $0x4000, $0x38;
	[tilespmem:$0x8200] =	vst v63  }
.Ltmp0:
0x29: {  	_ =	swait.ge [sflag:s12], $0x4000;
	(pc) =	sbr.rel @!p0 .LBB2_2-.Ltmp0, $4  }
0x2a: {  	[sflag:s12] =	ssyncset.done $0x0  }
0x2b: {  	[sflag:s12] =	ssyncadd.s32 $0xFFFFC000  }
0x2c: {  	_ =	swait.ge [sflag:s15], $0x4000  }
0x2d: {  	s19 =	sadd.s32 $0xFFFFFFFF, s19;
	[sflag:s15] =	ssyncset.done $0x0  }
.LBB2_1:
0x2e: {  	p0 =	sne.s32 s19, $0x1;
	s19 =	sadd.s32 $0xFFFFFFFF, s19;
	[sflag:s15] =	ssyncadd.s32 $0xFFFFC000  }
0x2f: {  	[tilespmem:s2], [sflag:$0x5] =	stream.linear.gather [hbm4b:s3+s2], $0x200, $0x38;
	[tilespmem:$0x8200] =	vst v63  }
0x30: {  	_ =	swait.ge [sflag:s4], $0x200  }
0x31: {  	[sflag:s4] =	ssyncset.done $0x0  }
0x32: {  	[sflag:s4] =	ssyncadd.s32 $0xFFFFFE00  }
0x33: {  	[tilespmem:s7], [sflag:$0x1] =	stream.indirect.gather [hbm4b:s5+s6], $0x80, s2, s6, $0xb8;
	[tilespmem:$0x8200] =	vst v63  }
0x34: {  	_ =	swait.ge [sflag:s8], $0x4000  }
0x35: {  	[sflag:s8] =	ssyncset.done $0x0  }
0x36: {  	[sflag:s8] =	ssyncadd.s32 $0xFFFFC000  }
0x37: {  	[tilespmem:s9], [sflag:$0x2] =	stream.indirect.gather [hbm4b:s5+s6], $0x80, s6, s6, $0xb8;
	[tilespmem:$0x8200] =	vst v63  }
0x38: {  	_ = 	snop  }
0x39: {  	[hbm4b:s10+s2] =	stream.linear.scatter [tilespmem:s7], [sflag:$0x3], $0x4000, $0x38;
	[tilespmem:$0x8200] =	vst v63  }
0x3a: {  	_ =	swait.ge [sflag:s11], $0x4000  }
0x3b: {  	[sflag:s11] =	ssyncset.done $0x0  }
0x3c: {  	[sflag:s11] =	ssyncadd.s32 $0xFFFFC000  }
0x3d: {  	_ =	swait.ge [sflag:s12], $0x4000  }
0x3e: {  	[sflag:s12] =	ssyncset.done $0x0  }
0x3f: {  	[sflag:s12] =	ssyncadd.s32 $0xFFFFC000  }
0x40: {  	[tilespmem:s7], [sflag:$0x1] =	stream.indirect.gather [hbm4b:s5+s6], $0x80, s13, s6, $0xb8;
	[tilespmem:$0x8200] =	vst v63  }
0x41: {  	_ = 	snop  }
0x42: {  	[hbm4b:s14+s2] =	stream.linear.scatter [tilespmem:s9], [sflag:$0x4], $0x4000, $0x38;
	[tilespmem:$0x8200] =	vst v63  }
0x43: {  	_ =	swait.ge [sflag:s8], $0x4000  }
0x44: {  	[sflag:s8] =	ssyncset.done $0x0  }
0x45: {  	[sflag:s8] =	ssyncadd.s32 $0xFFFFC000  }
0x46: {  	_ =	swait.ge [sflag:s15], $0x4000  }
0x47: {  	[sflag:s15] =	ssyncset.done $0x0  }
0x48: {  	[sflag:s15] =	ssyncadd.s32 $0xFFFFC000  }
0x49: {  	[tilespmem:s9], [sflag:$0x2] =	stream.indirect.gather [hbm4b:s5+s6], $0x80, s16, s6, $0xb8;
	[tilespmem:$0x8200] =	vst v63  }
0x4a: {  	_ = 	snop  }
0x4b: {  	[hbm4b:s17+s2] =	stream.linear.scatter [tilespmem:s7], [sflag:$0x3], $0x4000, $0x38;
	[tilespmem:$0x8200] =	vst v63  }
0x4c: {  	_ =	swait.ge [sflag:s11], $0x4000  }
0x4d: {  	[sflag:s11] =	ssyncset.done $0x0  }
0x4e: {  	[sflag:s11] =	ssyncadd.s32 $0xFFFFC000  }
0x4f: {  	[hbm4b:s18+s2] =	stream.linear.scatter [tilespmem:s9], [sflag:$0x4], $0x4000, $0x38;
	[tilespmem:$0x8200] =	vst v63  }
.Ltmp1:
0x50: {  	_ =	swait.ge [sflag:s12], $0x4000;
	(pc) =	sbr.rel @p0 .LBB2_1-.Ltmp1, $4  }
0x51: {  	[sflag:s12] =	ssyncset.done $0x0  }
0x52: {  	[sflag:s12] =	ssyncadd.s32 $0xFFFFC000  }
0x53: {  	_ =	swait.ge [sflag:s15], $0x4000  }
0x54: {  	[sflag:s15] =	ssyncset.done $0x0  }
.LBB2_2:
0x55: {  	[sflag:s15] =	ssyncadd.s32 $0xFFFFC000  }
0x56: {  	_ =	sfence.sel $0x180000  }
0x57: {  	[bflag:$0x0] =	sbarrier.arrive $0xFFFF  }
0x58: {  	p0 =	sne.s32 s0, $0x0;
	_ =	strace $0x90000047  }
0x59: {  	s0 =	sadd.s32 @!p0 $0x100000, s1;
	[bflag:$0x2] =	sbarrier.arrive $0xFFFF  }
0x5a: {  	[sflag:s0] =	ssyncadd.tile.s32 @!p0 $0x1;
	_ =	shalt  }
.Lfunc_end2:
_tile_overlayer_lowered:
.L_overlay_start_2:
0x5b: {  	(tag) =	ssettag $0x2  }
0x5c: {  	s0 =	rddreg [dreg:$0x0];
	s2 =	stileid.u32  }
0x5d: {  	s1 =	rddreg [dreg:$0x1];
	p0 =	sne.s32 s2, $0x0  }
0x5e: {  	s3 =	rddreg [dreg:$0x2];
	[bflag:$0x3] =	sbarrier.arrive $0xFFFF;
	s2 =	simm.s32 @!p0 $0x1C05  }
0x5f: {  	[timem:s3], [sflag:s2] =	dma.local @!p0 [hbm:s0], s1  }
0x60: {  	s0 =	simm.s32 @!p0 $0x5  }
0x61: {  	_ =	swait.ge @!p0 [sflag:s0], s1  }
0x62: {  	s1 =	ssub.s32 @!p0 $0x0, s1;
	[sflag:s0] =	ssyncset.done @!p0 $0x0  }
0x63: {  	[sflag:s0] =	ssyncadd.s32 @!p0 s1  }
0x64: {  	[bflag:$0x3] =	sbarrier.arrive $0xFFFF  }
0x65: {  	_ =	shalt  }

</sc_bundles>
